<compile_context>
chip_gen: v7x
topology: tpu7x:2x2x1
jax: 0.10.2.dev20260603
libtpu: 0.0.44.dev20260713+nightly
codegen_flags: <defaults>
</compile_context>

<pallas_src>
import jax
import jax.numpy as jnp
import numpy as np
from jax import lax
from jax.experimental import pallas as pl
from jax.experimental.pallas import tpu as pltpu
from jax.experimental.pallas import tpu_sc as plsc

B, L, C, F = 1024, 20, 26, 6
VOCAB, D, LFREQ = 100000, 32, 8
NT = B * L
NFIELD = C + F

NC, NS, LANES = 2, 16, 16
NW = NC * NS
TCHUNK = 5120
NCHUNK = NT // TCHUNK


def _cont_tc_kernel(cont_ref, ws_ref, wc_ref, mask_ref, freqs_ref, out_ref):
    freqs = freqs_ref[0]
    for i in range(F):
        v = cont_ref[i]
        m = jnp.isnan(v)
        clean = jnp.where(m, jnp.zeros_like(v), v)
        x = freqs[:, None] * clean[None, :]
        y = (jnp.dot(ws_ref[i], jnp.sin(x), preferred_element_type=jnp.float32)
             + jnp.dot(wc_ref[i], jnp.cos(x), preferred_element_type=jnp.float32))
        out_ref[i] = jnp.where(m[None, :], mask_ref[0][:, None], y)


def _cont_embs(cont2, W_proj, mask_token):
    Ws = W_proj[:, :, 0::2]
    Wc = W_proj[:, :, 1::2]
    return pl.pallas_call(
        _cont_tc_kernel,
        out_shape=jax.ShapeDtypeStruct((F, D, NT), jnp.float32),
    )(cont2, Ws, Wc, mask_token[None],
      jnp.asarray((2.0 ** np.arange(LFREQ)) * np.pi, jnp.float32)[None])


def _sc_body(tabs_hbm, cat2_hbm, conty_hbm, out_hbm,
             plane, outpl, idx0, idx1, so, si0, si1):
    d = lax.axis_index("s") * NC + lax.axis_index("c")

    def gather_chunk(base, idxb):
        @plsc.parallel_loop(0, TCHUNK, LANES, unroll=16)
        def _(i):
            outpl[pl.ds(base + i, LANES)] = plsc.load_gather(
                plane, [idxb[pl.ds(i, LANES)]])

    def do_plane(k, _):
        @pl.when(k > 0)
        def _():
            pltpu.make_async_copy(outpl, out_hbm.at[0, d, :], so).wait()

        @pl.when(k < C)
        def _():
            pltpu.async_copy(cat2_hbm.at[k, pl.ds(0, TCHUNK)], idx0, si0)
            pltpu.sync_copy(tabs_hbm.at[k, d, :], plane)

            def pair(j, _):
                base0 = 2 * j * TCHUNK
                pltpu.make_async_copy(
                    cat2_hbm.at[k, pl.ds(0, TCHUNK)], idx0, si0).wait()
                pltpu.async_copy(
                    cat2_hbm.at[k, pl.ds(base0 + TCHUNK, TCHUNK)], idx1, si1)
                gather_chunk(base0, idx0)
                pltpu.make_async_copy(
                    cat2_hbm.at[k, pl.ds(0, TCHUNK)], idx1, si1).wait()

                @pl.when(j + 1 < NCHUNK // 2)
                def _():
                    pltpu.async_copy(
                        cat2_hbm.at[k, pl.ds(base0 + 2 * TCHUNK, TCHUNK)],
                        idx0, si0)

                gather_chunk(base0 + TCHUNK, idx1)
                return 0

            lax.fori_loop(0, NCHUNK // 2, pair, 0)

        @pl.when(k >= C)
        def _():
            pltpu.sync_copy(conty_hbm.at[k - C, d, :], outpl)

        pltpu.async_copy(outpl, out_hbm.at[k, d, :], so)
        return 0

    lax.fori_loop(0, NFIELD, do_plane, 0)
    pltpu.make_async_copy(outpl, out_hbm.at[0, d, :], so).wait()


@jax.jit
def _run(tables_t, cat2, cont_y):
    mesh = plsc.VectorSubcoreMesh(core_axis_name="c", subcore_axis_name="s")
    sc = pl.kernel(
        _sc_body,
        out_type=jax.ShapeDtypeStruct((NFIELD, D, NT), jnp.float32),
        mesh=mesh,
        compiler_params=pltpu.CompilerParams(needs_layout_passes=False),
        scratch_types=[
            pltpu.VMEM((VOCAB,), jnp.float32),
            pltpu.VMEM((NT,), jnp.float32),
            pltpu.VMEM((TCHUNK,), jnp.int32),
            pltpu.VMEM((TCHUNK,), jnp.int32),
            pltpu.SemaphoreType.DMA,
            pltpu.SemaphoreType.DMA,
            pltpu.SemaphoreType.DMA,
        ],
    )
    return sc(tables_t, cat2, cont_y)


def kernel(cat, cont, tables, W_proj, mask_token):
    tables_t = jnp.transpose(tables, (0, 2, 1))
    cat2 = jnp.transpose(cat.astype(jnp.int32).reshape(NT, C), (1, 0))
    cont_y = _cont_embs(
        jnp.transpose(cont.reshape(NT, F), (1, 0)), W_proj, mask_token)
    out_t = _run(tables_t, cat2, cont_y)
    return jnp.transpose(out_t, (2, 0, 1))

# --- scband reference (transcript-rebuilt; emitter-appended) ---
"""Pipeline reference for scband-embedding-layer-57131654971549 (READ-ONLY COPY).

The authoritative reference and input builder live on the scoring server;
editing this copy changes nothing except your own understanding.
"""

import jax, jax.numpy as jnp
import numpy as np

B, L, C, F = 1024, 20, 26, 6
VOCAB, D, LFREQ = 100000, 32, 8

def setup_inputs(seed: int = 0) -> dict:
    key = jax.random.key(seed)
    k1, k2, k3, k4, k5 = jax.random.split(key, 5)
    cat = jax.random.randint(k1, (B, L, C), 0, VOCAB, dtype=jnp.int64 if jax.config.jax_enable_x64 else jnp.int32)
    cont = jax.random.normal(k2, (B, L, F), dtype=jnp.float32)
    tables = jax.random.normal(k3, (C, VOCAB, D), dtype=jnp.float32) * 0.02
    # padding_idx=0: zero out row 0 of each table (torch nn.Embedding padding_idx init)
    tables = tables.at[:, 0, :].set(0.0)
    W_proj = jax.random.normal(k4, (F, D, 2 * LFREQ), dtype=jnp.float32) * (1.0 / np.sqrt(2 * LFREQ))
    mask_token = jax.random.normal(k5, (D,), dtype=jnp.float32) * 0.02
    return {"cat": cat, "cont": cont, "tables": tables, "W_proj": W_proj, "mask_token": mask_token}

def reference(cat, cont, tables, W_proj, mask_token):
    freqs = (2.0 ** jnp.arange(LFREQ, dtype=jnp.float32)) * jnp.pi
    # categorical embedding lookups (gather)
    cat_embs = jnp.stack([jnp.take(tables[i], cat[..., i], axis=0) for i in range(C)], axis=2)  # (B,L,C,D)
    cont_list = []
    for i in range(F):
        vals = cont[..., i]
        m = jnp.isnan(vals)
        clean = jnp.where(m, jnp.zeros_like(vals), vals)
        x = clean[..., None] * freqs  # (B,L,LFREQ)
        gamma = jnp.stack((jnp.sin(x), jnp.cos(x)), axis=-1).reshape(x.shape[:-1] + (2 * LFREQ,))
        y = gamma @ W_proj[i].T  # (B,L,D)
        y = jnp.where(m[..., None], mask_token, y)
        cont_list.append(y)
    cont_embs = jnp.stack(cont_list, axis=2)  # (B,L,F,D)
    embs = jnp.concatenate([cat_embs, cont_embs], axis=2)  # (B,L,C+F,D)
    return embs.reshape(B * L, C + F, D)

if __name__ == "__main__":
    import jax
    _d = setup_inputs()
    print(jax.jit(kernel)(*tuple(_d.values())))

</pallas_src>

<mosaic_0001>
#map = affine_map<(d0, d1) -> (0, 0, 0)>
#map1 = affine_map<(d0, d1) -> (0, 0)>
module attributes {stable_mosaic.version = 14 : i64} {
  func.func @_sc_body(%arg0: i32, %arg1: i32, %arg2: memref<26x32x100000xf32, #tpu.memory_space<hbm>>, %arg3: memref<26x20480xi32, #tpu.memory_space<hbm>>, %arg4: memref<6x32x20480xf32, #tpu.memory_space<hbm>>, %arg5: memref<32x32x20480xf32, #tpu.memory_space<hbm>>, %arg6: memref<100000xf32, #tpu.memory_space<vmem>>, %arg7: memref<20480xf32, #tpu.memory_space<vmem>>, %arg8: memref<5120xi32, #tpu.memory_space<vmem>>, %arg9: memref<5120xi32, #tpu.memory_space<vmem>>, %arg10: memref<!tpu.dma_semaphore, #tpu.memory_space<semaphore_mem>>, %arg11: memref<!tpu.dma_semaphore, #tpu.memory_space<semaphore_mem>>, %arg12: memref<!tpu.dma_semaphore, #tpu.memory_space<semaphore_mem>>) attributes {dimension_semantics = [#tpu.dimension_semantics<core_parallel>, #tpu.dimension_semantics<subcore_parallel>], iteration_bounds = array<i64: 2, 16>, scalar_prefetch = 0 : i64, scratch_operands = 7 : i64, tpu.core_type = #tpu.core_type<sc_vector_subcore>, window_params = [{transform_indices = #map}, {transform_indices = #map1}, {transform_indices = #map}, {transform_indices = #map}]} {
    %mul3A = arith.constant 2 : i32
    %mul3A_0 = arith.muli %arg1, %mul3A : i32
    %add3A = arith.addi %mul3A_0, %arg0 : i32
    %scan3A = arith.constant 0 : i32
    %scan3A_1 = arith.constant 0 : i32
    %scan3A_2 = arith.constant 32 : i32
    %scan3A_3 = arith.addi %scan3A_1, %scan3A_2 : i32
    %scan3A_4 = arith.constant 1 : i32
    %scan3A_5 = scf.for %scan3A_13 = %scan3A_1 to %scan3A_3 step %scan3A_4 iter_args(%scan3A_14 = %scan3A) -> (i32)  : i32 {
      %gt3A = arith.constant 0 : i32
      %gt3A_15 = arith.cmpi sgt, %scan3A_13, %gt3A : i32
      %convert_element_type3A = arith.extui %gt3A_15 : i1 to i32
      %cond3A = arith.constant 0 : i32
      %cond3A_16 = arith.cmpi ne, %convert_element_type3A, %cond3A : i32
      scf.if %cond3A_16 {
        %dma_wait3A_31 = arith.constant 0 : i32
        %dma_wait3A_32 = arith.constant 0 : i32
        %dma_wait3A_33 = tpu.memref_slice %arg5[%dma_wait3A_31, %add3A, %dma_wait3A_32] : memref<32x32x20480xf32, #tpu.memory_space<hbm>> -> memref<1x1x20480xf32, #tpu.memory_space<hbm>>
        %dma_wait3A_34 = tpu.memref_squeeze %dma_wait3A_33 : memref<1x1x20480xf32, #tpu.memory_space<hbm>> -> memref<20480xf32, #tpu.memory_space<hbm>>
        %dma_wait3A_35 = arith.constant 0 : i32
        %dma_wait3A_36 = tpu.memref_slice %arg5[%dma_wait3A_31, %add3A, %dma_wait3A_35] : memref<32x32x20480xf32, #tpu.memory_space<hbm>> -> memref<1x1x20480xf32, #tpu.memory_space<hbm>>
        %dma_wait3A_37 = tpu.memref_squeeze %dma_wait3A_36 : memref<1x1x20480xf32, #tpu.memory_space<hbm>> -> memref<20480xf32, #tpu.memory_space<hbm>>
        tpu.wait_dma2 semaphore(%arg10 : memref<!tpu.dma_semaphore, #tpu.memory_space<semaphore_mem>>) src(%arg7 : memref<20480xf32, #tpu.memory_space<vmem>>) dst(%dma_wait3A_37 : memref<20480xf32, #tpu.memory_space<hbm>>)
      } else {
      }
      %lt3A = arith.constant 26 : i32
      %lt3A_17 = arith.cmpi slt, %scan3A_13, %lt3A : i32
      %convert_element_type3A_18 = arith.extui %lt3A_17 : i1 to i32
      %cond3A_19 = arith.constant 0 : i32
      %cond3A_20 = arith.cmpi ne, %convert_element_type3A_18, %cond3A_19 : i32
      scf.if %cond3A_20 {
        %dma_start3A_31 = arith.constant 0 : i32
        %dma_start3A_32 = tpu.memref_slice %arg3[%scan3A_13, %dma_start3A_31] : memref<26x20480xi32, #tpu.memory_space<hbm>> -> memref<1x5120xi32, #tpu.memory_space<hbm>>
        %dma_start3A_33 = tpu.memref_squeeze %dma_start3A_32 : memref<1x5120xi32, #tpu.memory_space<hbm>> -> memref<5120xi32, #tpu.memory_space<hbm>>
        %dma_start3A_34 = arith.constant 0 : i32
        %dma_start3A_35 = tpu.memref_slice %arg3[%scan3A_13, %dma_start3A_34] : memref<26x20480xi32, #tpu.memory_space<hbm>> -> memref<1x5120xi32, #tpu.memory_space<hbm>>
        %dma_start3A_36 = tpu.memref_squeeze %dma_start3A_35 : memref<1x5120xi32, #tpu.memory_space<hbm>> -> memref<5120xi32, #tpu.memory_space<hbm>>
        tpu.enqueue_dma source(%dma_start3A_36 : memref<5120xi32, #tpu.memory_space<hbm>>) target(%arg8 : memref<5120xi32, #tpu.memory_space<vmem>>) target_semaphore(%arg11 : memref<!tpu.dma_semaphore, #tpu.memory_space<semaphore_mem>>)
        "tpu.region"() ({
          %run_scoped3A = tpu.sem_alloc : memref<!tpu.dma_semaphore, #tpu.memory_space<semaphore_mem>>
          %dma_start3A_44 = arith.constant 0 : i32
          %dma_start3A_45 = tpu.memref_slice %arg2[%scan3A_13, %add3A, %dma_start3A_44] : memref<26x32x100000xf32, #tpu.memory_space<hbm>> -> memref<1x1x100000xf32, #tpu.memory_space<hbm>>
          %dma_start3A_46 = tpu.memref_squeeze %dma_start3A_45 : memref<1x1x100000xf32, #tpu.memory_space<hbm>> -> memref<100000xf32, #tpu.memory_space<hbm>>
          %dma_start3A_47 = arith.constant 0 : i32
          %dma_start3A_48 = tpu.memref_slice %arg2[%scan3A_13, %add3A, %dma_start3A_47] : memref<26x32x100000xf32, #tpu.memory_space<hbm>> -> memref<1x1x100000xf32, #tpu.memory_space<hbm>>
          %dma_start3A_49 = tpu.memref_squeeze %dma_start3A_48 : memref<1x1x100000xf32, #tpu.memory_space<hbm>> -> memref<100000xf32, #tpu.memory_space<hbm>>
          tpu.enqueue_dma source(%dma_start3A_49 : memref<100000xf32, #tpu.memory_space<hbm>>) target(%arg6 : memref<100000xf32, #tpu.memory_space<vmem>>) target_semaphore(%run_scoped3A : memref<!tpu.dma_semaphore, #tpu.memory_space<semaphore_mem>>)
          %dma_wait3A_50 = arith.constant 0 : i32
          %dma_wait3A_51 = tpu.memref_slice %arg2[%scan3A_13, %add3A, %dma_wait3A_50] : memref<26x32x100000xf32, #tpu.memory_space<hbm>> -> memref<1x1x100000xf32, #tpu.memory_space<hbm>>
          %dma_wait3A_52 = tpu.memref_squeeze %dma_wait3A_51 : memref<1x1x100000xf32, #tpu.memory_space<hbm>> -> memref<100000xf32, #tpu.memory_space<hbm>>
          %dma_wait3A_53 = arith.constant 0 : i32
          %dma_wait3A_54 = tpu.memref_slice %arg2[%scan3A_13, %add3A, %dma_wait3A_53] : memref<26x32x100000xf32, #tpu.memory_space<hbm>> -> memref<1x1x100000xf32, #tpu.memory_space<hbm>>
          %dma_wait3A_55 = tpu.memref_squeeze %dma_wait3A_54 : memref<1x1x100000xf32, #tpu.memory_space<hbm>> -> memref<100000xf32, #tpu.memory_space<hbm>>
          tpu.wait_dma2 semaphore(%run_scoped3A : memref<!tpu.dma_semaphore, #tpu.memory_space<semaphore_mem>>) src(%dma_wait3A_55 : memref<100000xf32, #tpu.memory_space<hbm>>) dst(%arg6 : memref<100000xf32, #tpu.memory_space<vmem>>)
          tpu.yield
        }) : () -> ()
        %scan3A_37 = arith.constant 0 : i32
        %scan3A_38 = arith.constant 0 : i32
        %scan3A_39 = arith.constant 2 : i32
        %scan3A_40 = arith.addi %scan3A_38, %scan3A_39 : i32
        %scan3A_41 = arith.constant 1 : i32
        %scan3A_42 = scf.for %scan3A_44 = %scan3A_38 to %scan3A_40 step %scan3A_41 iter_args(%scan3A_45 = %scan3A_37) -> (i32)  : i32 {
          %mul3A_46 = arith.constant 2 : i32
          %mul3A_47 = arith.muli %mul3A_46, %scan3A_44 : i32
          %mul3A_48 = arith.constant 5120 : i32
          %mul3A_49 = arith.muli %mul3A_47, %mul3A_48 : i32
          %dma_wait3A_50 = arith.constant 0 : i32
          %dma_wait3A_51 = tpu.memref_slice %arg3[%scan3A_13, %dma_wait3A_50] : memref<26x20480xi32, #tpu.memory_space<hbm>> -> memref<1x5120xi32, #tpu.memory_space<hbm>>
          %dma_wait3A_52 = tpu.memref_squeeze %dma_wait3A_51 : memref<1x5120xi32, #tpu.memory_space<hbm>> -> memref<5120xi32, #tpu.memory_space<hbm>>
          %dma_wait3A_53 = arith.constant 0 : i32
          %dma_wait3A_54 = tpu.memref_slice %arg3[%scan3A_13, %dma_wait3A_53] : memref<26x20480xi32, #tpu.memory_space<hbm>> -> memref<1x5120xi32, #tpu.memory_space<hbm>>
          %dma_wait3A_55 = tpu.memref_squeeze %dma_wait3A_54 : memref<1x5120xi32, #tpu.memory_space<hbm>> -> memref<5120xi32, #tpu.memory_space<hbm>>
          tpu.wait_dma2 semaphore(%arg11 : memref<!tpu.dma_semaphore, #tpu.memory_space<semaphore_mem>>) src(%dma_wait3A_55 : memref<5120xi32, #tpu.memory_space<hbm>>) dst(%arg8 : memref<5120xi32, #tpu.memory_space<vmem>>)
          %add3A_56 = arith.constant 5120 : i32
          %add3A_57 = arith.addi %mul3A_49, %add3A_56 : i32
          %dma_start3A_58 = tpu.memref_slice %arg3[%scan3A_13, %add3A_57] : memref<26x20480xi32, #tpu.memory_space<hbm>> -> memref<1x5120xi32, #tpu.memory_space<hbm>>
          %dma_start3A_59 = tpu.memref_squeeze %dma_start3A_58 : memref<1x5120xi32, #tpu.memory_space<hbm>> -> memref<5120xi32, #tpu.memory_space<hbm>>
          %dma_start3A_60 = tpu.memref_slice %arg3[%scan3A_13, %add3A_57] : memref<26x20480xi32, #tpu.memory_space<hbm>> -> memref<1x5120xi32, #tpu.memory_space<hbm>>
          %dma_start3A_61 = tpu.memref_squeeze %dma_start3A_60 : memref<1x5120xi32, #tpu.memory_space<hbm>> -> memref<5120xi32, #tpu.memory_space<hbm>>
          tpu.enqueue_dma source(%dma_start3A_61 : memref<5120xi32, #tpu.memory_space<hbm>>) target(%arg9 : memref<5120xi32, #tpu.memory_space<vmem>>) target_semaphore(%arg12 : memref<!tpu.dma_semaphore, #tpu.memory_space<semaphore_mem>>)
          %parallel_loop3A = arith.constant 0 : i32
          %parallel_loop3A_62 = arith.constant 5120 : i32
          %parallel_loop3A_63 = arith.constant 16 : i32
          scf.for %parallel_loop3A_83 = %parallel_loop3A to %parallel_loop3A_62 step %parallel_loop3A_63  : i32 {
            %parallel_loop3A_84 = arith.index_cast %parallel_loop3A_83 : i32 to index
            %parallel_loop3A_85 = tpu.vector_load %arg8[%parallel_loop3A_84] {strides = array<i32>} : memref<5120xi32, #tpu.memory_space<vmem>>, vector<16xi32>,
            %parallel_loop3A_86 = tpu.vector_load_idx %arg6[%parallel_loop3A_85] : memref<100000xf32, #tpu.memory_space<vmem>>[vector<16xi32>], vector<16xf32>,
            %parallel_loop3A_87 = arith.addi %mul3A_49, %parallel_loop3A_83 : i32
            %parallel_loop3A_88 = arith.index_cast %parallel_loop3A_87 : i32 to index
            %parallel_loop3A_89 = tpu.vector_load %arg7[%parallel_loop3A_88] {strides = array<i32>} : memref<20480xf32, #tpu.memory_space<vmem>>, vector<16xf32>,
            tpu.vector_store %arg7[%parallel_loop3A_88], %parallel_loop3A_86 {strides = array<i32>} : memref<20480xf32, #tpu.memory_space<vmem>>, vector<16xf32>,
          } {sc.loop_unroll_factor = 16 : i64, sc.parallel_access}
          %dma_wait3A_64 = arith.constant 0 : i32
          %dma_wait3A_65 = tpu.memref_slice %arg3[%scan3A_13, %dma_wait3A_64] : memref<26x20480xi32, #tpu.memory_space<hbm>> -> memref<1x5120xi32, #tpu.memory_space<hbm>>
          %dma_wait3A_66 = tpu.memref_squeeze %dma_wait3A_65 : memref<1x5120xi32, #tpu.memory_space<hbm>> -> memref<5120xi32, #tpu.memory_space<hbm>>
          %dma_wait3A_67 = arith.constant 0 : i32
          %dma_wait3A_68 = tpu.memref_slice %arg3[%scan3A_13, %dma_wait3A_67] : memref<26x20480xi32, #tpu.memory_space<hbm>> -> memref<1x5120xi32, #tpu.memory_space<hbm>>
          %dma_wait3A_69 = tpu.memref_squeeze %dma_wait3A_68 : memref<1x5120xi32, #tpu.memory_space<hbm>> -> memref<5120xi32, #tpu.memory_space<hbm>>
          tpu.wait_dma2 semaphore(%arg12 : memref<!tpu.dma_semaphore, #tpu.memory_space<semaphore_mem>>) src(%dma_wait3A_69 : memref<5120xi32, #tpu.memory_space<hbm>>) dst(%arg9 : memref<5120xi32, #tpu.memory_space<vmem>>)
          %add3A_70 = arith.constant 1 : i32
          %add3A_71 = arith.addi %scan3A_44, %add3A_70 : i32
          %lt3A_72 = arith.constant 2 : i32
          %lt3A_73 = arith.cmpi slt, %add3A_71, %lt3A_72 : i32
          %convert_element_type3A_74 = arith.extui %lt3A_73 : i1 to i32
          %cond3A_75 = arith.constant 0 : i32
          %cond3A_76 = arith.cmpi ne, %convert_element_type3A_74, %cond3A_75 : i32
          scf.if %cond3A_76 {
            %add3A_83 = arith.constant 10240 : i32
            %add3A_84 = arith.addi %mul3A_49, %add3A_83 : i32
            %dma_start3A_85 = tpu.memref_slice %arg3[%scan3A_13, %add3A_84] : memref<26x20480xi32, #tpu.memory_space<hbm>> -> memref<1x5120xi32, #tpu.memory_space<hbm>>
            %dma_start3A_86 = tpu.memref_squeeze %dma_start3A_85 : memref<1x5120xi32, #tpu.memory_space<hbm>> -> memref<5120xi32, #tpu.memory_space<hbm>>
            %dma_start3A_87 = tpu.memref_slice %arg3[%scan3A_13, %add3A_84] : memref<26x20480xi32, #tpu.memory_space<hbm>> -> memref<1x5120xi32, #tpu.memory_space<hbm>>
            %dma_start3A_88 = tpu.memref_squeeze %dma_start3A_87 : memref<1x5120xi32, #tpu.memory_space<hbm>> -> memref<5120xi32, #tpu.memory_space<hbm>>
            tpu.enqueue_dma source(%dma_start3A_88 : memref<5120xi32, #tpu.memory_space<hbm>>) target(%arg8 : memref<5120xi32, #tpu.memory_space<vmem>>) target_semaphore(%arg11 : memref<!tpu.dma_semaphore, #tpu.memory_space<semaphore_mem>>)
          } else {
          }
          %add3A_77 = arith.constant 5120 : i32
          %add3A_78 = arith.addi %mul3A_49, %add3A_77 : i32
          %parallel_loop3A_79 = arith.constant 0 : i32
          %parallel_loop3A_80 = arith.constant 5120 : i32
          %parallel_loop3A_81 = arith.constant 16 : i32
          scf.for %parallel_loop3A_83 = %parallel_loop3A_79 to %parallel_loop3A_80 step %parallel_loop3A_81  : i32 {
            %parallel_loop3A_84 = arith.index_cast %parallel_loop3A_83 : i32 to index
            %parallel_loop3A_85 = tpu.vector_load %arg9[%parallel_loop3A_84] {strides = array<i32>} : memref<5120xi32, #tpu.memory_space<vmem>>, vector<16xi32>,
            %parallel_loop3A_86 = tpu.vector_load_idx %arg6[%parallel_loop3A_85] : memref<100000xf32, #tpu.memory_space<vmem>>[vector<16xi32>], vector<16xf32>,
            %parallel_loop3A_87 = arith.addi %add3A_78, %parallel_loop3A_83 : i32
            %parallel_loop3A_88 = arith.index_cast %parallel_loop3A_87 : i32 to index
            %parallel_loop3A_89 = tpu.vector_load %arg7[%parallel_loop3A_88] {strides = array<i32>} : memref<20480xf32, #tpu.memory_space<vmem>>, vector<16xf32>,
            tpu.vector_store %arg7[%parallel_loop3A_88], %parallel_loop3A_86 {strides = array<i32>} : memref<20480xf32, #tpu.memory_space<vmem>>, vector<16xf32>,
          } {sc.loop_unroll_factor = 16 : i64, sc.parallel_access}
          %scan3A_82 = arith.constant 0 : i32
          scf.yield %scan3A_82 : i32
        }
        %scan3A_43 = arith.constant 2 : i32
      } else {
      }
      %ge3A = arith.constant 26 : i32
      %ge3A_21 = arith.cmpi sge, %scan3A_13, %ge3A : i32
      %convert_element_type3A_22 = arith.extui %ge3A_21 : i1 to i32
      %cond3A_23 = arith.constant 0 : i32
      %cond3A_24 = arith.cmpi ne, %convert_element_type3A_22, %cond3A_23 : i32
      scf.if %cond3A_24 {
        %sub3A = arith.constant 26 : i32
        %sub3A_31 = arith.subi %scan3A_13, %sub3A : i32
        "tpu.region"() ({
          %run_scoped3A = tpu.sem_alloc : memref<!tpu.dma_semaphore, #tpu.memory_space<semaphore_mem>>
          %dma_start3A_32 = arith.constant 0 : i32
          %dma_start3A_33 = tpu.memref_slice %arg4[%sub3A_31, %add3A, %dma_start3A_32] : memref<6x32x20480xf32, #tpu.memory_space<hbm>> -> memref<1x1x20480xf32, #tpu.memory_space<hbm>>
          %dma_start3A_34 = tpu.memref_squeeze %dma_start3A_33 : memref<1x1x20480xf32, #tpu.memory_space<hbm>> -> memref<20480xf32, #tpu.memory_space<hbm>>
          %dma_start3A_35 = arith.constant 0 : i32
          %dma_start3A_36 = tpu.memref_slice %arg4[%sub3A_31, %add3A, %dma_start3A_35] : memref<6x32x20480xf32, #tpu.memory_space<hbm>> -> memref<1x1x20480xf32, #tpu.memory_space<hbm>>
          %dma_start3A_37 = tpu.memref_squeeze %dma_start3A_36 : memref<1x1x20480xf32, #tpu.memory_space<hbm>> -> memref<20480xf32, #tpu.memory_space<hbm>>
          tpu.enqueue_dma source(%dma_start3A_37 : memref<20480xf32, #tpu.memory_space<hbm>>) target(%arg7 : memref<20480xf32, #tpu.memory_space<vmem>>) target_semaphore(%run_scoped3A : memref<!tpu.dma_semaphore, #tpu.memory_space<semaphore_mem>>)
          %dma_wait3A_38 = arith.constant 0 : i32
          %dma_wait3A_39 = tpu.memref_slice %arg4[%sub3A_31, %add3A, %dma_wait3A_38] : memref<6x32x20480xf32, #tpu.memory_space<hbm>> -> memref<1x1x20480xf32, #tpu.memory_space<hbm>>
          %dma_wait3A_40 = tpu.memref_squeeze %dma_wait3A_39 : memref<1x1x20480xf32, #tpu.memory_space<hbm>> -> memref<20480xf32, #tpu.memory_space<hbm>>
          %dma_wait3A_41 = arith.constant 0 : i32
          %dma_wait3A_42 = tpu.memref_slice %arg4[%sub3A_31, %add3A, %dma_wait3A_41] : memref<6x32x20480xf32, #tpu.memory_space<hbm>> -> memref<1x1x20480xf32, #tpu.memory_space<hbm>>
          %dma_wait3A_43 = tpu.memref_squeeze %dma_wait3A_42 : memref<1x1x20480xf32, #tpu.memory_space<hbm>> -> memref<20480xf32, #tpu.memory_space<hbm>>
          tpu.wait_dma2 semaphore(%run_scoped3A : memref<!tpu.dma_semaphore, #tpu.memory_space<semaphore_mem>>) src(%dma_wait3A_43 : memref<20480xf32, #tpu.memory_space<hbm>>) dst(%arg7 : memref<20480xf32, #tpu.memory_space<vmem>>)
          tpu.yield
        }) : () -> ()
      } else {
      }
      %dma_start3A = arith.constant 0 : i32
      %dma_start3A_25 = tpu.memref_slice %arg5[%scan3A_13, %add3A, %dma_start3A] : memref<32x32x20480xf32, #tpu.memory_space<hbm>> -> memref<1x1x20480xf32, #tpu.memory_space<hbm>>
      %dma_start3A_26 = tpu.memref_squeeze %dma_start3A_25 : memref<1x1x20480xf32, #tpu.memory_space<hbm>> -> memref<20480xf32, #tpu.memory_space<hbm>>
      %dma_start3A_27 = arith.constant 0 : i32
      %dma_start3A_28 = tpu.memref_slice %arg5[%scan3A_13, %add3A, %dma_start3A_27] : memref<32x32x20480xf32, #tpu.memory_space<hbm>> -> memref<1x1x20480xf32, #tpu.memory_space<hbm>>
      %dma_start3A_29 = tpu.memref_squeeze %dma_start3A_28 : memref<1x1x20480xf32, #tpu.memory_space<hbm>> -> memref<20480xf32, #tpu.memory_space<hbm>>
      tpu.enqueue_dma source(%arg7 : memref<20480xf32, #tpu.memory_space<vmem>>) target(%dma_start3A_29 : memref<20480xf32, #tpu.memory_space<hbm>>) target_semaphore(%arg10 : memref<!tpu.dma_semaphore, #tpu.memory_space<semaphore_mem>>)
      %scan3A_30 = arith.constant 0 : i32
      scf.yield %scan3A_30 : i32
    }
    %scan3A_6 = arith.constant 32 : i32
    %dma_wait3A = arith.constant 0 : i32
    %dma_wait3A_7 = arith.constant 0 : i32
    %dma_wait3A_8 = tpu.memref_slice %arg5[%dma_wait3A, %add3A, %dma_wait3A_7] : memref<32x32x20480xf32, #tpu.memory_space<hbm>> -> memref<1x1x20480xf32, #tpu.memory_space<hbm>>
    %dma_wait3A_9 = tpu.memref_squeeze %dma_wait3A_8 : memref<1x1x20480xf32, #tpu.memory_space<hbm>> -> memref<20480xf32, #tpu.memory_space<hbm>>
    %dma_wait3A_10 = arith.constant 0 : i32
    %dma_wait3A_11 = tpu.memref_slice %arg5[%dma_wait3A, %add3A, %dma_wait3A_10] : memref<32x32x20480xf32, #tpu.memory_space<hbm>> -> memref<1x1x20480xf32, #tpu.memory_space<hbm>>
    %dma_wait3A_12 = tpu.memref_squeeze %dma_wait3A_11 : memref<1x1x20480xf32, #tpu.memory_space<hbm>> -> memref<20480xf32, #tpu.memory_space<hbm>>
    tpu.wait_dma2 semaphore(%arg10 : memref<!tpu.dma_semaphore, #tpu.memory_space<semaphore_mem>>) src(%arg7 : memref<20480xf32, #tpu.memory_space<vmem>>) dst(%dma_wait3A_12 : memref<20480xf32, #tpu.memory_space<hbm>>)
    return
  }
}

</mosaic_0001>

<sc_bundles>
// kernel: _run.3.cloned.1.call-start
scs
__scs_entry_jumppad:
0x0: {  	(pc) =	sbr.rel $0x88, $3  }
0x1: {  	(tag) =	ssettag $0x0;
	lr =	simm.s32 $0x1  }
0x2: {  	[smem:$0x3F9E] =	sst lr;
	_ =	strace $0xD0000000  }
0x3: {  	_ = 	snop  }
0x4: {  	_ = 	snop  }
0x5: {  	_ = 	snop  }
0x6: {  	_ = 	snop  }
0x7: {  	_ = 	snop  }
__scs_overlays_trampoline_lowered:
0x8: {  	[smem:$0x3FAD] =	sst s0  }
0x9: {  	[smem:$0x3FAE] =	sst s1  }
0xa: {  	[smem:$0x3FAF] =	sst s2  }
0xb: {  	[smem:$0x3FB0] =	sst s3  }
0xc: {  	[smem:$0x3FB1] =	sst s4  }
0xd: {  	[smem:$0x3FB2] =	sst s5  }
0xe: {  	[smem:$0x3FB3] =	sst s6  }
0xf: {  	[smem:$0x3FB4] =	sst s7  }
0x10: {  	[smem:$0x3FB5] =	sst s8  }
0x11: {  	[smem:$0x3FB6] =	sst s9;
	s0 =	simm.s32 @!p0 $0x0  }
0x12: {  	s1 =	sld [smem:$0x3F9C];
	s0 =	simm.s32 @p0 $0x1  }
0x13: {  	[smem:$0x3FB7] =	sst s0;
	s0 =	simm.s32 @!p1 $0x0  }
0x14: {  	s2 =	sld [smem:$0x3F9B];
	s0 =	simm.s32 @p1 $0x1  }
0x15: {  	[smem:$0x3FB8] =	sst s0;
	s0 =	simm.s32 @!p2 $0x0  }
0x16: {  	s3 =	sld [smem:$0x3FDB];
	s0 =	simm.s32 @p2 $0x1  }
0x17: {  	s4 =	simm.s32 $0x1BF5;
	[smem:$0x3FBA] =	sst s0  }
0x18: {  	s0 =	sld [smem:$0x3F9D];
	_ =	swait.ge [sflag:s4], $0x0  }
0x19: {  	s7 =	sld [smem:$0x3F9E]  }
0x1a: {  	s8 =	sadd.s32 $0xFFFFE003, lr  }
0x1b: {  	s9 =	sadd.s32 $0xFFFFFEF7, lr;
	s5 =	simm.s32 $0xFFFFFFFF;
	p2 =	slt.u32 s8, $0xFFFFF086  }
0x1c: {  	p1 =	slt.u32 s9, $0xF7A;
	s5 =	simm.s32 @!p2 $0x0  }
0x1d: {  	s5 =	simm.s32 @p1 $0x1;
	p0 =	seq.s32 s7, s2  }
0x1e: {  	s7 =	smul.u32 @!p0 $0xF7A, s2;
	p2 =	seq.s32 @!p0 s5, $0x0  }
0x1f: {  	s9 =	smul.u32 $0xF7A, s1;
	s8 =	simm.s32 @!p0 $0x1BF5;
	p2 =	por !p2, p0  }
0x20: {  	[sflag:s8] =	ssyncset.s32 @!p0 $0xFFFFF086;
	s6 =	sadd.s32 @!p0 s3, s7;
	s7 =	simm.s32 @!p0 $0x108  }
0x21: {  	s3 =	sadd.s32 s3, s9;
	s6 =	sadd.s32 @!p0 $0x88, s6;
	s7 =	simm.s32 @p2 $0x1082  }
0x22: {  	[simem:s7], [sflag:s8] =	dma.local @!p0 [hbm:s6], $0xF7A  }
0x23: {  	s9 =	sor.u32 $0xD0000000, s2;
	s6 =	simm.s32 $0x108;
	_ =	swait.ge @!p0 [sflag:s8], $0x0  }
0x24: {  	s3 =	sadd.s32 $0x88, s3;
	s6 =	simm.s32 @!p1 $0x1082;
	[sflag:s4] =	ssyncset.s32 $0xFFFFF086  }
0x25: {  	[simem:s6], [sflag:s4] =	dma.local [hbm:s3], $0xF7A  }
0x26: {  	[smem:$0x3F9E] =	sst s1;
	(tag) =	ssettag s2;
	_ =	strace s9  }
0x27: {  	s1 =	sld [smem:$0x3FAE]  }
0x28: {  	s2 =	sld [smem:$0x3FAF]  }
0x29: {  	s4 =	sld [smem:$0x3FB1]  }
0x2a: {  	p0 =	seq.s32 s5, $0x0;
	s5 =	sld [smem:$0x3FB2]  }
0x2b: {  	s6 =	sld [smem:$0x3FB3]  }
0x2c: {  	s7 =	sld [smem:$0x3FB4]  }
0x2d: {  	s3 =	simm.s32 $0x108;
	s8 =	sld [smem:$0x3FB5]  }
0x2e: {  	s3 =	simm.s32 @!p0 $0x1082;
	s9 =	sld [smem:$0x3FB6]  }
0x2f: {  	lr =	sadd.s32 s0, s3;
	s0 =	sld [smem:$0x3FAD]  }
0x30: {  	s3 =	sld [smem:$0x3FB0]  }
0x31: {  	[smem:$0x3FB9] =	sst s10  }
0x32: {  	s10 =	sld [smem:$0x3FB7];
	_ =	sdelay $0x3  }
0x33: {  	p0 =	seq.s32 s10, $0x1;
	s10 =	sld [smem:$0x3FB9];
	_ =	sdelay $0x3  }
0x34: {  	[smem:$0x3FB9] =	sst s10  }
0x35: {  	s10 =	sld [smem:$0x3FB8];
	_ =	sdelay $0x3  }
0x36: {  	p1 =	seq.s32 s10, $0x1;
	s10 =	sld [smem:$0x3FB9];
	_ =	sdelay $0x3  }
0x37: {  	[smem:$0x3FB9] =	sst s10  }
0x38: {  	s10 =	sld [smem:$0x3FBA]  }
0x39: {  	_ = 	snop;
	(pc) =	sbr.ind lr, $3  }
0x3a: {  	_ = 	snop  }
0x3b: {  	_ = 	snop  }
0x3c: {  	p2 =	seq.s32 s10, $0x1;
	s10 =	sld [smem:$0x3FB9]  }
0x3d: {  	_ =	shalt  }
0x3e: {  	_ =	shalt  }
0x3f: {  	_ =	shalt  }
0x40: {  	_ =	shalt  }
0x41: {  	_ =	shalt  }
0x42: {  	_ =	shalt  }
0x43: {  	_ =	shalt  }
0x44: {  	_ =	shalt  }
0x45: {  	_ =	shalt  }
0x46: {  	_ =	shalt  }
0x47: {  	_ =	shalt  }
0x48: {  	_ =	shalt  }
0x49: {  	_ =	shalt  }
0x4a: {  	_ =	shalt  }
0x4b: {  	_ =	shalt  }
0x4c: {  	_ =	shalt  }
0x4d: {  	_ =	shalt  }
0x4e: {  	_ =	shalt  }
0x4f: {  	_ =	shalt  }
0x50: {  	_ =	shalt  }
0x51: {  	_ =	shalt  }
0x52: {  	_ =	shalt  }
0x53: {  	_ =	shalt  }
0x54: {  	_ =	shalt  }
0x55: {  	_ =	shalt  }
0x56: {  	_ =	shalt  }
0x57: {  	_ =	shalt  }
0x58: {  	_ =	shalt  }
0x59: {  	_ =	shalt  }
0x5a: {  	_ =	shalt  }
0x5b: {  	_ =	shalt  }
0x5c: {  	_ =	shalt  }
0x5d: {  	_ =	shalt  }
0x5e: {  	_ =	shalt  }
0x5f: {  	_ =	shalt  }
0x60: {  	_ =	shalt  }
0x61: {  	_ =	shalt  }
0x62: {  	_ =	shalt  }
0x63: {  	_ =	shalt  }
0x64: {  	_ =	shalt  }
0x65: {  	_ =	shalt  }
0x66: {  	_ =	shalt  }
0x67: {  	_ =	shalt  }
0x68: {  	_ =	shalt  }
0x69: {  	_ =	shalt  }
0x6a: {  	_ =	shalt  }
0x6b: {  	_ =	shalt  }
0x6c: {  	_ =	shalt  }
0x6d: {  	_ =	shalt  }
0x6e: {  	_ =	shalt  }
0x6f: {  	_ =	shalt  }
0x70: {  	_ =	shalt  }
0x71: {  	_ =	shalt  }
0x72: {  	_ =	shalt  }
0x73: {  	_ =	shalt  }
0x74: {  	_ =	shalt  }
0x75: {  	_ =	shalt  }
0x76: {  	_ =	shalt  }
0x77: {  	_ =	shalt  }
0x78: {  	_ =	shalt  }
0x79: {  	_ =	shalt  }
0x7a: {  	_ =	shalt  }
0x7b: {  	_ =	shalt  }
0x7c: {  	_ =	shalt  }
0x7d: {  	_ =	shalt  }
0x7e: {  	_ =	shalt  }
0x7f: {  	_ =	shalt  }
0x80: {  	_ =	shalt  }
0x81: {  	_ =	shalt  }
0x82: {  	_ =	shalt  }
0x83: {  	_ =	shalt  }
0x84: {  	_ =	shalt  }
0x85: {  	_ =	shalt  }
0x86: {  	_ =	shalt  }
0x87: {  	_ =	shalt  }
.Lfunc_end0:
.L_simem_size_0:
called_computation_lowered:
.L_overlay_start_0:
0x88: {  	s2 =	sld [smem:$0x3FD9]  }
0x89: {  	s3 =	sld [smem:$0x3FFE];
	_ =	sdelay $0x1  }
0x8a: {  	s1 =	srdreg.scid  }
0x8b: {  	s0 =	sand.u32 $0x1, s1  }
0x8c: {  	s18 =	sshll.u32 s0, $0xA;
	s2 =	sadd.s32 s3, s2  }
0x8d: {  	s2 =	sadd.s32 s2, s18  }
0x8e: {  	[smem:$0x3FC5] =	sst s2  }
0x8f: {  	_ = 	snop  }
0x90: {  	s2 =	sld [smem:$0x3FC9]  }
0x91: {  	s19 =	sld [smem:$0x3FC8]  }
0x92: {  	s4 =	sld [smem:$0x3FC7]  }
0x93: {  	s5 =	sld [smem:$0x3FD0];
	(tm) =	ssettm $0x1  }
0x94: {  	s6 =	sld [smem:$0x3FFB];
	_ =	sdelay $0x3  }
0x95: {  	_ =	strace s6  }
0x96: {  	s6 =	sld [smem:$0x3FFC];
	_ =	sdelay $0x3  }
0x97: {  	_ =	strace s6  }
0x98: {  	s6 =	sld [smem:$0x3FFD];
	_ =	sdelay $0x3  }
0x99: {  	_ =	strace s6  }
0x9a: {  	_ =	strace $0x8FFFFFFF  }
0x9b: {  	s20 =	sld [smem:$0x3FDB];
	_ =	sdelay $0x1  }
0x9c: {  	s7 =	simm.s32 $_scs_section_size  }
0x9d: {  	s8 =	simm.s32 $_size__tile_overlayer_lowered;
	s9 =	simm.s32 $_tile_overlayer_lowered  }
0x9e: {  	s23 =	simm.s32 $0x1BFF;
	s22 =	sshll.u32 s9, $0x1;
	s6 =	sadd.s32 s7, s20  }
0x9f: {  	s10 =	simm.s32 $0x0;
	s21 =	sshll.u32 s8, $0x1;
	s8 =	sadd.s32 s22, s6  }
0xa0: {  	[timem:s10], [sflag:s23] =	dma.local [hbm:s8], s21  }
0xa1: {  	_ =	swait.ge [sflag:s23], s21  }
0xa2: {  	s7 =	ssub.s32 $0x0, s21;
	[sflag:s23] =	ssyncset.done $0x0  }
0xa3: {  	[sflag:s23] =	ssyncadd.s32 s7;
	_ =	sdelay $0x1  }
0xa4: {  	s24 =	simm.s32 $0x1B8B  }
0xa5: {  	_ =	swait.ge [sflag:s24], $0x1  }
0xa6: {  	[sflag:s24] =	ssyncset.done $0x0  }
0xa7: {  	s25 =	simm.s32 $0x1B8E;
	[sflag:s24] =	ssyncadd.s32 $0xFFFFFFFF  }
0xa8: {  	s26 =	simm.s32 $execute0_lowered;
	[smem:$0x3FD2] =	sst s25  }
0xa9: {  	s7 =	sshll.u32 s26, $0x1;
	_ =	strace $0x80000046;
	[dreg:$0x1] =	wrdreg $0xFFFFFFFF  }
0xaa: {  	s28 =	simm.s32 $_size_execute0_lowered;
	s6 =	sadd.s32 s6, s7;
	[dreg:$0x0] =	wrdreg $0x0  }
0xab: {  	s7 =	sshll.u32 s28, $0x1;
	[dreg:$0x2] =	wrdreg s6  }
0xac: {  	[dreg:$0x3] =	wrdreg s7  }
0xad: {  	[dreg:$0x4] =	wrdreg $0xC0  }
0xae: {  	_ =	task [dreg:s10], $0x5FFFF  }
0xaf: {  	[dreg:$0x1] =	wrdreg $0xFFFFFFFF  }
0xb0: {  	[dreg:$0x0] =	wrdreg $0x60  }
0xb1: {  	[dreg:$0x2] =	wrdreg s2  }
0xb2: {  	[dreg:$0x3] =	wrdreg s19  }
0xb3: {  	[dreg:$0x4] =	wrdreg s4  }
0xb4: {  	[dreg:$0x5] =	wrdreg s5  }
0xb5: {  	[dreg:$0x6] =	wrdreg $0x9  }
0xb6: {  	_ =	task.clear_ibuf [dreg:s10], $0x7FFFF;
	_ =	strace $0x90000046  }
0xb7: {  	s29 =	simm.s32 $0x9;
	_ =	strace $0x80000048  }
0xb8: {  	_ =	swait.ge [sflag:s29], $0x1  }
0xb9: {  	[sflag:s29] =	ssyncadd.s32 $0xFFFFFFFF  }
0xba: {  	_ =	strace $0x90000048  }
0xbb: {  	_ =	sfence  }
0xbc: {  	s30 =	sld [smem:$0x0];
	_ =	sdelay $0x2  }
0xbd: {  	s31 =	sshll.u32 s1, $0xD;
	s1 =	sshrl.u32 s1, $0x2  }
0xbe: {  	s3 =	sand.u32 $0x4000, s31;
	s1 =	sadd.s32 s1, s30  }
0xbf: {  	s0 =	sor.u32 s3, s0;
	s1 =	sshll.u32 s1, $0x11  }
0xc0: {  	s0 =	sor.u32 s1, s0  }
0xc1: {  	s0 =	sadd.s32 $0x8F2B, s0  }
0xc2: {  	[sflag:s0] =	ssyncadd.remote.s32 $0x1  }
0xc3: {  	_ =	sfence.sel $0xFFFF  }
0xc4: {  	[dreg:$0x0] =	wrdreg $0xFFFFFFFF;
	(pc) =	sbr.abs _section_cstart, $3  }
0xc5: {  	[dreg:$0x1] =	wrdreg $0xFFFFFFFF  }
0xc6: {  	_ =	task.clear_ibuf [dreg:s10], $0x2FFFF;
	_ =	strace $0x9FFFFFFF  }
0xc7: {  	(tm) =	ssettm $0x7FFFFFFF  }
tec
execute0_lowered:
.L_overlay_start_1:
0x0: {  	(tag) =	ssettag $0x1  }
0x1: {  	s1 =	rddreg [dreg:$0x0]  }
0x2: {  	s2 =	rddreg [dreg:$0x1]  }
0x3: {  	s3 =	rddreg [dreg:$0x2]  }
0x4: {  	s5 =	rddreg [dreg:$0x3]  }
0x5: {  	s0 =	rddreg [dreg:$0x4];
	s6 =	simm.s32 $0x0  }
0x6: {  	s7 =	srdreg.scid;
	s4 =	stileid.u32;
	s13 =	simm.s32 $0x1D700  }
0x7: {  	s14 =	simm.s32 $0x4;
	s15 =	simm.s32 $0x2;
	s16 =	simm.s32 $0x1EB00  }
0x8: {  	s17 =	simm.s32 $0x3;
	s18 =	simm.s32 $0x18700;
	s19 =	simm.s32 $0x1  }
0x9: {  	s20 =	simm.s32 $0x0;
	[smem:$0x7FF] =	sst s6;
	s8 =	sshrl.u32 s4, $0x2  }
0xa: {  	s7 =	sand.u32 $0x1, s7;
	s11 =	sshll.u32 s4, $0x8;
	s10 =	smul.u32 $0xC3800, s8  }
.Ltmp0:
0xb: {  	s9 =	ssub.s32 $0x2, s7;
	s7 =	sshll.u32 s7, $0x7;
	(pc) =	sbr.rel .LBB2_1-.Ltmp0, $4  }
0xc: {  	s11 =	sand.u32 $0x300, s11;
	s8 =	smul.u32 $0x28000, s8;
	s12 =	sshrl.u32 s9, $0x1  }
0xd: {  	_ =	strace $0x80000047;
	s11 =	sor.u32 s7, s11;
	s12 =	ssub.s32 s9, s12  }
0xe: {  	s7 =	sor.u32 s11, s10;
	s8 =	sor.u32 s11, s8;
	s11 =	simm.s32 $0x80  }
0xf: {  	s9 =	sadd.s32 $0xFEFC0000, s8;
	s10 =	smax.u32 s12, $0x1;
	s12 =	simm.s32 $0x400  }
.LBB2_14:
0x10: {  	s20 =	sadd.s32 $0x1, s20  }
0x11: {  	p0 =	sne.s32 s20, s10  }
.Ltmp1:
0x12: {  	_ = 	snop;
	(pc) =	sbr.rel @!p0 .LBB2_15-.Ltmp1, $4  }
0x13: {  	_ = 	snop  }
0x14: {  	_ =	swait.ge [sflag:s19], $0x5000  }
0x15: {  	[sflag:s19] =	ssyncset.done $0x0  }
0x16: {  	[sflag:s19] =	ssyncadd.s32 $0xFFFFB000  }
.LBB2_1:
.Ltmp2:
0x17: {  	(pc) =	sbr.rel .LBB2_2-.Ltmp2, $2  }
0x18: {  	_ =	sdelay $0x2  }
0x19: {  	s21 =	simm.s32 $0x0  }
.LBB2_12:
0x1a: {  	s22 =	smul.u32 $0xA0000, s21;
	_ =	sdelay $0x1  }
0x1b: {  	s23 =	sadd.s32 s22, s9  }
0x1c: {  	s23 =	sshrl.u32 s23, $0x3  }
0x1d: {  	s23 =	sadd.s32 s3, s23  }
0x1e: {  	[tilespmem:s18], [sflag:$0x4] =	stream.strided.gather [hbm4b:s23+s11], $0x5000, s12, s11, $0x38;
	[tilespmem:$0x1FF00] =	vst v63  }
0x1f: {  	_ =	swait.ge [sflag:s14], $0x5000  }
0x20: {  	[sflag:s14] =	ssyncset.done $0x0  }
0x21: {  	[sflag:s14] =	ssyncadd.s32 $0xFFFFB000  }
.LBB2_13:
0x22: {  	s21 =	sadd.s32 $0x1, s21  }
0x23: {  	p0 =	sne.s32 s21, $0x20  }
.Ltmp3:
0x24: {  	_ = 	snop;
	(pc) =	sbr.rel @!p0 .LBB2_14-.Ltmp3, $4  }
0x25: {  	s22 =	sadd.s32 s8, s22  }
0x26: {  	s22 =	sshrl.u32 s22, $0x3  }
0x27: {  	s22 =	sadd.s32 s5, s22  }
0x28: {  	[hbm4b:s22+s11] =	stream.strided.scatter [tilespmem:s18], [sflag:$0x1], $0x5000, s12, s11, $0x38;
	[tilespmem:$0x1FF00] =	vst v63  }
.LBB2_2:
0x29: {  	p0 =	seq.s32 s21, $0x0  }
0x2a: {  	p1 =	sgt.u32 @!p0 s21, $0x19  }
0x2b: {  	p1 =	por p0, !p1  }
.Ltmp4:
0x2c: {  	_ = 	snop;
	(pc) =	sbr.rel @!p1 .LBB2_12-.Ltmp4, $4  }
0x2d: {  	s22 =	simm.s32 @!p0 $0x1  }
0x2e: {  	_ =	swait.ge @!p0 [sflag:s22], $0x5000  }
0x2f: {  	[sflag:s22] =	ssyncset.done @!p0 $0x0  }
0x30: {  	[sflag:s22] =	ssyncadd.s32 @!p0 $0xFFFFB000  }
0x31: {  	s22 =	sshrl.u32 s21, $0x3  }
0x32: {  	s23 =	sshll.u32 s21, $0x7;
	s22 =	smul.u32 $0x28000, s22  }
0x33: {  	s24 =	smul.u32 $0x30E000, s21;
	s23 =	sand.u32 $0x380, s23  }
0x34: {  	s23 =	sor.u32 s23, s22  }
0x35: {  	s24 =	sadd.s32 s7, s24;
	s22 =	sshrl.u32 s23, $0x3  }
0x36: {  	s24 =	sshrl.u32 s24, $0x3;
	s22 =	sadd.s32 s2, s22  }
0x37: {  	[tilespmem:s13], [sflag:$0x2] =	stream.strided.gather [hbm4b:s22+s11], $0x1400, s12, s11, $0x38;
	[tilespmem:$0x1FF00] =	vst v63  }
0x38: {  	s25 =	sadd.s32 s1, s24;
	s24 =	simm.s32 $0x0  }
0x39: {  	[tilespmem:s24], [sflag:$0x4] =	stream.strided.gather [hbm4b:s25+s11], $0x18700, s12, s11, $0x38;
	[tilespmem:$0x1FF00] =	vst v63  }
0x3a: {  	s23 =	sadd.s32 $0x14000, s23;
	_ =	swait.ge [sflag:s14], $0x18700  }
0x3b: {  	s23 =	sshrl.u32 s23, $0x3;
	[sflag:s14] =	ssyncset.done $0x0  }
0x3c: {  	p1 =	por $0x1, $0x1;
	s23 =	sadd.s32 s2, s23;
	[sflag:s14] =	ssyncadd.s32 $0xFFFE7900  }
.LBB2_5:
0x3d: {  	_ =	swait.ge [sflag:s15], $0x1400  }
0x3e: {  	s25 =	sadd.s32 s24, s22;
	[sflag:s15] =	ssyncset.done $0x0  }
0x3f: {  	s30 =	simm.s32 $0x1D780;
	s25 =	sadd.s32 $0x1400, s25;
	[sflag:s15] =	ssyncadd.s32 $0xFFFFEC00  }
0x40: {  	[tilespmem:s16], [sflag:$0x3] =	stream.strided.gather [hbm4b:s25+s11], $0x1400, s12, s11, $0x38;
	[tilespmem:$0x1FF00] =	vst v63  }
0x41: {  	v0 =	vld [tilespmem:s30+$0x70]  }
0x42: {  	v1 =	vld [tilespmem:s30+$0xFFFFFF90]  }
0x43: {  	v2 =	vld [tilespmem:s30+$0xFFFFFFA0]  }
0x44: {  	v3 =	vld [tilespmem:s30+$0xFFFFFFB0]  }
0x45: {  	v4 =	vld [tilespmem:s30+$0xFFFFFFC0]  }
0x46: {  	v5 =	vld [tilespmem:s30+$0xFFFFFFD0]  }
0x47: {  	v6 =	vld [tilespmem:s30+$0xFFFFFFE0]  }
0x48: {  	v7 =	vld [tilespmem:s30+$0xFFFFFFF0]  }
0x49: {  	v8 =	vld [tilespmem:s30+$0x0]  }
0x4a: {  	v9 =	vld [tilespmem:s30+$0x10]  }
0x4b: {  	v10 =	vld [tilespmem:s30+$0x20]  }
0x4c: {  	v11 =	vld [tilespmem:s30+$0x30]  }
0x4d: {  	v12 =	vld [tilespmem:s30+$0x40]  }
0x4e: {  	v13 =	vld [tilespmem:s30+$0x50]  }
0x4f: {  	v14 =	vld [tilespmem:s30+$0x60]  }
0x50: {  	v15 =	vld [tilespmem:s30+$0xFFFFFF80]  }
0x51: {  	v0 =	vld.idx.msk [tilespmem:v0+s6+$0x0], $0xffff  }
0x52: {  	v1 =	vld.idx.msk [tilespmem:v1+s6+$0x0], $0xffff  }
0x53: {  	v2 =	vld.idx.msk [tilespmem:v2+s6+$0x0], $0xffff  }
0x54: {  	s31 =	sshll.u32 s24, $0x2;
	v3 =	vld.idx.msk [tilespmem:v3+s6+$0x0], $0xffff  }
0x55: {  	s24 =	sshra.s32 s31, $0x2;
	v4 =	vld.idx.msk [tilespmem:v4+s6+$0x0], $0xffff  }
0x56: {  	s25 =	sadd.s32 $0x18780, s24;
	v5 =	vld.idx.msk [tilespmem:v5+s6+$0x0], $0xffff  }
0x57: {  	v6 =	vld.idx.msk [tilespmem:v6+s6+$0x0], $0xffff;
	[tilespmem:s25+$0x70] =	vst v0  }
0x58: {  	v7 =	vld.idx.msk [tilespmem:v7+s6+$0x0], $0xffff;
	[tilespmem:s25+$0xFFFFFF90] =	vst v1  }
0x59: {  	v15 =	vld.idx.msk [tilespmem:v15+s6+$0x0], $0xffff;
	[tilespmem:s25+$0xFFFFFFA0] =	vst v2  }
0x5a: {  	v8 =	vld.idx.msk [tilespmem:v8+s6+$0x0], $0xffff;
	[tilespmem:s25+$0xFFFFFFB0] =	vst v3  }
0x5b: {  	[tilespmem:s25+$0xFFFFFFC0] =	vst v4;
	v0 =	vld.idx.msk [tilespmem:v9+s6+$0x0], $0xffff  }
0x5c: {  	[tilespmem:s25+$0xFFFFFFD0] =	vst v5;
	v1 =	vld.idx.msk [tilespmem:v10+s6+$0x0], $0xffff  }
0x5d: {  	[tilespmem:s25+$0xFFFFFFE0] =	vst v6;
	v2 =	vld.idx.msk [tilespmem:v11+s6+$0x0], $0xffff  }
0x5e: {  	[tilespmem:s25+$0xFFFFFFF0] =	vst v7;
	v3 =	vld.idx.msk [tilespmem:v12+s6+$0x0], $0xffff  }
0x5f: {  	[tilespmem:s25+$0xFFFFFF80] =	vst v15;
	v4 =	vld.idx.msk [tilespmem:v13+s6+$0x0], $0xffff  }
0x60: {  	p0 =	por p1, p1;
	s26 =	simm.s32 $0x0;
	s28 =	simm.s32 $0x1D880;
	[tilespmem:s25+$0x0] =	vst v8;
	v5 =	vld.idx.msk [tilespmem:v14+s6+$0x0], $0xffff  }
.LBB2_6:
0x61: {  	v6 =	vld [tilespmem:s28+$0x70];
	s26 =	sadd.s32 $0x100, s26;
	[tilespmem:s25+$0x10] =	vst v0  }
0x62: {  	v0 =	vld [tilespmem:s28+$0xFFFFFF90];
	p1 =	slt.u32 s26, $0x1300;
	[tilespmem:s25+$0x20] =	vst v1  }
0x63: {  	v1 =	vld [tilespmem:s28+$0xFFFFFFA0];
	[tilespmem:s25+$0x30] =	vst v2  }
0x64: {  	v2 =	vld [tilespmem:s28+$0xFFFFFFB0];
	[tilespmem:s25+$0x40] =	vst v3  }
0x65: {  	v3 =	vld [tilespmem:s28+$0xFFFFFFC0];
	[tilespmem:s25+$0x50] =	vst v4  }
0x66: {  	v4 =	vld [tilespmem:s28+$0xFFFFFFD0];
	[tilespmem:s25+$0x60] =	vst v5  }
0x67: {  	v5 =	vld [tilespmem:s28+$0xFFFFFFE0]  }
0x68: {  	v7 =	vld [tilespmem:s28+$0xFFFFFFF0]  }
0x69: {  	v6 =	vld.idx.msk [tilespmem:v6+s6+$0x0], $0xffff  }
0x6a: {  	v8 =	vld [tilespmem:s28+$0x0]  }
0x6b: {  	v9 =	vld [tilespmem:s28+$0x10]  }
0x6c: {  	v10 =	vld [tilespmem:s28+$0x20]  }
0x6d: {  	v11 =	vld [tilespmem:s28+$0x30]  }
0x6e: {  	s25 =	sadd.s32 $0x100, s25;
	v12 =	vld [tilespmem:s28+$0x40]  }
0x6f: {  	v13 =	vld [tilespmem:s28+$0x50];
	[tilespmem:s25+$0x70] =	vst v6  }
0x70: {  	v6 =	vld [tilespmem:s28+$0x60]  }
0x71: {  	v14 =	vld [tilespmem:s28+$0xFFFFFF80]  }
0x72: {  	v0 =	vld.idx.msk [tilespmem:v0+s6+$0x0], $0xffff  }
0x73: {  	v1 =	vld.idx.msk [tilespmem:v1+s6+$0x0], $0xffff  }
0x74: {  	v2 =	vld.idx.msk [tilespmem:v2+s6+$0x0], $0xffff  }
0x75: {  	v3 =	vld.idx.msk [tilespmem:v3+s6+$0x0], $0xffff  }
0x76: {  	v4 =	vld.idx.msk [tilespmem:v4+s6+$0x0], $0xffff  }
0x77: {  	v5 =	vld.idx.msk [tilespmem:v5+s6+$0x0], $0xffff  }
0x78: {  	[tilespmem:s25+$0xFFFFFF90] =	vst v0;
	v7 =	vld.idx.msk [tilespmem:v7+s6+$0x0], $0xffff  }
0x79: {  	v14 =	vld.idx.msk [tilespmem:v14+s6+$0x0], $0xffff;
	[tilespmem:s25+$0xFFFFFFA0] =	vst v1  }
0x7a: {  	[tilespmem:s25+$0xFFFFFFB0] =	vst v2;
	v8 =	vld.idx.msk [tilespmem:v8+s6+$0x0], $0xffff  }
0x7b: {  	[tilespmem:s25+$0xFFFFFFC0] =	vst v3;
	v0 =	vld.idx.msk [tilespmem:v9+s6+$0x0], $0xffff  }
.Ltmp5:
0x7c: {  	[tilespmem:s25+$0xFFFFFFD0] =	vst v4;
	v1 =	vld.idx.msk [tilespmem:v10+s6+$0x0], $0xffff;
	(pc) =	sbr.rel @p1 .LBB2_6-.Ltmp5, $4  }
0x7d: {  	[tilespmem:s25+$0xFFFFFFE0] =	vst v5;
	v2 =	vld.idx.msk [tilespmem:v11+s6+$0x0], $0xffff  }
0x7e: {  	[tilespmem:s25+$0xFFFFFFF0] =	vst v7;
	v3 =	vld.idx.msk [tilespmem:v12+s6+$0x0], $0xffff  }
0x7f: {  	[tilespmem:s25+$0xFFFFFF80] =	vst v14;
	v4 =	vld.idx.msk [tilespmem:v13+s6+$0x0], $0xffff  }
0x80: {  	s28 =	sadd.s32 $0x100, s28;
	[tilespmem:s25+$0x0] =	vst v8;
	v5 =	vld.idx.msk [tilespmem:v6+s6+$0x0], $0xffff  }
0x81: {  	[tilespmem:s25+$0x10] =	vst v0  }
0x82: {  	[tilespmem:s25+$0x20] =	vst v1  }
0x83: {  	[tilespmem:s25+$0x30] =	vst v2  }
0x84: {  	[tilespmem:s25+$0x40] =	vst v3  }
0x85: {  	[tilespmem:s25+$0x50] =	vst v4  }
0x86: {  	[tilespmem:s25+$0x60] =	vst v5  }
0x87: {  	_ =	swait.ge [sflag:s17], $0x1400  }
0x88: {  	s26 =	simm.s32 @p0 $0x400;
	s28 =	simm.s32 @p0 $0x1D700;
	[sflag:s17] =	ssyncset.done $0x0  }
0x89: {  	s31 =	simm.s32 $0x1EB80;
	s25 =	simm.s32 @p0 $0x80;
	[sflag:s17] =	ssyncadd.s32 $0xFFFFEC00  }
0x8a: {  	[tilespmem:s28], [sflag:$0x2] =	stream.strided.gather @p0 [hbm4b:s23+s25], $0x1400, s26, s25, $0x38;
	[tilespmem:$0x1FF00] =	vst v63  }
0x8b: {  	v0 =	vld [tilespmem:s31+$0x70]  }
0x8c: {  	v1 =	vld [tilespmem:s31+$0xFFFFFF90]  }
0x8d: {  	v2 =	vld [tilespmem:s31+$0xFFFFFFA0]  }
0x8e: {  	v3 =	vld [tilespmem:s31+$0xFFFFFFB0]  }
0x8f: {  	v4 =	vld [tilespmem:s31+$0xFFFFFFC0]  }
0x90: {  	v5 =	vld [tilespmem:s31+$0xFFFFFFD0]  }
0x91: {  	v6 =	vld [tilespmem:s31+$0xFFFFFFE0]  }
0x92: {  	v7 =	vld [tilespmem:s31+$0xFFFFFFF0]  }
0x93: {  	v8 =	vld [tilespmem:s31+$0x0]  }
0x94: {  	v9 =	vld [tilespmem:s31+$0x10]  }
0x95: {  	v10 =	vld [tilespmem:s31+$0x20]  }
0x96: {  	v11 =	vld [tilespmem:s31+$0x30]  }
0x97: {  	v12 =	vld [tilespmem:s31+$0x40]  }
0x98: {  	v13 =	vld [tilespmem:s31+$0x50]  }
0x99: {  	v14 =	vld [tilespmem:s31+$0x60]  }
0x9a: {  	v15 =	vld [tilespmem:s31+$0xFFFFFF80]  }
0x9b: {  	v0 =	vld.idx.msk [tilespmem:v0+s6+$0x0], $0xffff  }
0x9c: {  	v1 =	vld.idx.msk [tilespmem:v1+s6+$0x0], $0xffff  }
0x9d: {  	v2 =	vld.idx.msk [tilespmem:v2+s6+$0x0], $0xffff  }
0x9e: {  	v3 =	vld.idx.msk [tilespmem:v3+s6+$0x0], $0xffff  }
0x9f: {  	v4 =	vld.idx.msk [tilespmem:v4+s6+$0x0], $0xffff  }
0xa0: {  	s24 =	sadd.s32 $0x19BF0, s24;
	v5 =	vld.idx.msk [tilespmem:v5+s6+$0x0], $0xffff  }
0xa1: {  	v6 =	vld.idx.msk [tilespmem:v6+s6+$0x0], $0xffff;
	[tilespmem:s24+$0x0] =	vst v0  }
0xa2: {  	v7 =	vld.idx.msk [tilespmem:v7+s6+$0x0], $0xffff;
	[tilespmem:s24+$0xFFFFFF20] =	vst v1  }
0xa3: {  	v15 =	vld.idx.msk [tilespmem:v15+s6+$0x0], $0xffff;
	[tilespmem:s24+$0xFFFFFF30] =	vst v2  }
0xa4: {  	v8 =	vld.idx.msk [tilespmem:v8+s6+$0x0], $0xffff;
	[tilespmem:s24+$0xFFFFFF40] =	vst v3  }
0xa5: {  	[tilespmem:s24+$0xFFFFFF50] =	vst v4;
	v0 =	vld.idx.msk [tilespmem:v9+s6+$0x0], $0xffff  }
0xa6: {  	[tilespmem:s24+$0xFFFFFF60] =	vst v5;
	v1 =	vld.idx.msk [tilespmem:v10+s6+$0x0], $0xffff  }
0xa7: {  	[tilespmem:s24+$0xFFFFFF70] =	vst v6;
	v2 =	vld.idx.msk [tilespmem:v11+s6+$0x0], $0xffff  }
0xa8: {  	[tilespmem:s24+$0xFFFFFF80] =	vst v7;
	v3 =	vld.idx.msk [tilespmem:v12+s6+$0x0], $0xffff  }
0xa9: {  	[tilespmem:s24+$0xFFFFFF10] =	vst v15;
	v4 =	vld.idx.msk [tilespmem:v13+s6+$0x0], $0xffff  }
0xaa: {  	s25 =	simm.s32 $0x0;
	s26 =	simm.s32 $0x1EC80;
	[tilespmem:s24+$0xFFFFFF90] =	vst v8;
	v5 =	vld.idx.msk [tilespmem:v14+s6+$0x0], $0xffff  }
.LBB2_8:
0xab: {  	v6 =	vld [tilespmem:s26+$0x70];
	s25 =	sadd.s32 $0x100, s25;
	[tilespmem:s24+$0xFFFFFFA0] =	vst v0  }
0xac: {  	v0 =	vld [tilespmem:s26+$0xFFFFFF90];
	p1 =	slt.u32 s25, $0x1300;
	[tilespmem:s24+$0xFFFFFFB0] =	vst v1  }
0xad: {  	v1 =	vld [tilespmem:s26+$0xFFFFFFA0];
	[tilespmem:s24+$0xFFFFFFC0] =	vst v2  }
0xae: {  	v2 =	vld [tilespmem:s26+$0xFFFFFFB0];
	[tilespmem:s24+$0xFFFFFFD0] =	vst v3  }
0xaf: {  	v3 =	vld [tilespmem:s26+$0xFFFFFFC0];
	[tilespmem:s24+$0xFFFFFFE0] =	vst v4  }
0xb0: {  	v4 =	vld [tilespmem:s26+$0xFFFFFFD0];
	[tilespmem:s24+$0xFFFFFFF0] =	vst v5  }
0xb1: {  	v5 =	vld [tilespmem:s26+$0xFFFFFFE0]  }
0xb2: {  	v7 =	vld [tilespmem:s26+$0xFFFFFFF0]  }
0xb3: {  	v6 =	vld.idx.msk [tilespmem:v6+s6+$0x0], $0xffff  }
0xb4: {  	v8 =	vld [tilespmem:s26+$0x0]  }
0xb5: {  	v9 =	vld [tilespmem:s26+$0x10]  }
0xb6: {  	v10 =	vld [tilespmem:s26+$0x20]  }
0xb7: {  	v11 =	vld [tilespmem:s26+$0x30]  }
0xb8: {  	s24 =	sadd.s32 $0x100, s24;
	v12 =	vld [tilespmem:s26+$0x40]  }
0xb9: {  	v13 =	vld [tilespmem:s26+$0x50];
	[tilespmem:s24+$0x0] =	vst v6  }
0xba: {  	v6 =	vld [tilespmem:s26+$0x60]  }
0xbb: {  	v14 =	vld [tilespmem:s26+$0xFFFFFF80]  }
0xbc: {  	v0 =	vld.idx.msk [tilespmem:v0+s6+$0x0], $0xffff  }
0xbd: {  	v1 =	vld.idx.msk [tilespmem:v1+s6+$0x0], $0xffff  }
0xbe: {  	v2 =	vld.idx.msk [tilespmem:v2+s6+$0x0], $0xffff  }
0xbf: {  	v3 =	vld.idx.msk [tilespmem:v3+s6+$0x0], $0xffff  }
0xc0: {  	v4 =	vld.idx.msk [tilespmem:v4+s6+$0x0], $0xffff  }
0xc1: {  	v5 =	vld.idx.msk [tilespmem:v5+s6+$0x0], $0xffff  }
0xc2: {  	[tilespmem:s24+$0xFFFFFF20] =	vst v0;
	v7 =	vld.idx.msk [tilespmem:v7+s6+$0x0], $0xffff  }
0xc3: {  	v14 =	vld.idx.msk [tilespmem:v14+s6+$0x0], $0xffff;
	[tilespmem:s24+$0xFFFFFF30] =	vst v1  }
0xc4: {  	[tilespmem:s24+$0xFFFFFF40] =	vst v2;
	v8 =	vld.idx.msk [tilespmem:v8+s6+$0x0], $0xffff  }
0xc5: {  	[tilespmem:s24+$0xFFFFFF50] =	vst v3;
	v0 =	vld.idx.msk [tilespmem:v9+s6+$0x0], $0xffff  }
.Ltmp6:
0xc6: {  	[tilespmem:s24+$0xFFFFFF60] =	vst v4;
	v1 =	vld.idx.msk [tilespmem:v10+s6+$0x0], $0xffff;
	(pc) =	sbr.rel @p1 .LBB2_8-.Ltmp6, $4  }
0xc7: {  	[tilespmem:s24+$0xFFFFFF70] =	vst v5;
	v2 =	vld.idx.msk [tilespmem:v11+s6+$0x0], $0xffff  }
0xc8: {  	[tilespmem:s24+$0xFFFFFF80] =	vst v7;
	v3 =	vld.idx.msk [tilespmem:v12+s6+$0x0], $0xffff  }
0xc9: {  	[tilespmem:s24+$0xFFFFFF10] =	vst v14;
	v4 =	vld.idx.msk [tilespmem:v13+s6+$0x0], $0xffff  }
0xca: {  	s26 =	sadd.s32 $0x100, s26;
	[tilespmem:s24+$0xFFFFFF90] =	vst v8;
	v5 =	vld.idx.msk [tilespmem:v6+s6+$0x0], $0xffff  }
0xcb: {  	[tilespmem:s24+$0xFFFFFFA0] =	vst v0  }
0xcc: {  	[tilespmem:s24+$0xFFFFFFB0] =	vst v1  }
0xcd: {  	[tilespmem:s24+$0xFFFFFFC0] =	vst v2  }
0xce: {  	[tilespmem:s24+$0xFFFFFFD0] =	vst v3  }
0xcf: {  	[tilespmem:s24+$0xFFFFFFE0] =	vst v4  }
0xd0: {  	[tilespmem:s24+$0xFFFFFFF0] =	vst v5  }
.Ltmp7:
0xd1: {  	(pc) =	sbr.rel @p0 .LBB2_5-.Ltmp7, $2  }
0xd2: {  	_ =	sdelay $0x2  }
0xd3: {  	s24 =	simm.s32 $0x2800;
	p1 =	por $0x0, $0x0  }
0xd4: {  	p0 =	sgt.u32 s21, $0x19  }
.Ltmp8:
0xd5: {  	_ = 	snop;
	(pc) =	sbr.rel @p0 .LBB2_12-.Ltmp8, $1  }
0xd6: {  	_ =	sdelay $0x3  }
.Ltmp9:
0xd7: {  	(pc) =	sbr.rel .LBB2_13-.Ltmp9, $2  }
0xd8: {  	_ =	sdelay $0x2  }
0xd9: {  	s22 =	smul.u32 $0xA0000, s21  }
.LBB2_15:
0xda: {  	_ =	sfence.sel $0x180000  }
0xdb: {  	[bflag:$0x0] =	sbarrier.arrive $0xFFFF  }
0xdc: {  	p0 =	sne.s32 s4, $0x0;
	_ =	strace $0x90000047  }
0xdd: {  	s0 =	sadd.s32 @!p0 $0x100000, s0;
	[bflag:$0x2] =	sbarrier.arrive $0xFFFF  }
0xde: {  	[sflag:s0] =	ssyncadd.tile.s32 @!p0 $0x1;
	_ =	shalt  }
.Lfunc_end2:
_tile_overlayer_lowered:
.L_overlay_start_2:
0xdf: {  	(tag) =	ssettag $0x2  }
0xe0: {  	s0 =	rddreg [dreg:$0x0];
	s2 =	stileid.u32  }
0xe1: {  	s1 =	rddreg [dreg:$0x1];
	p0 =	sne.s32 s2, $0x0  }
0xe2: {  	s3 =	rddreg [dreg:$0x2];
	[bflag:$0x3] =	sbarrier.arrive $0xFFFF;
	s2 =	simm.s32 @!p0 $0x1C04  }
0xe3: {  	[timem:s3], [sflag:s2] =	dma.local @!p0 [hbm:s0], s1  }
0xe4: {  	s0 =	simm.s32 @!p0 $0x4  }
0xe5: {  	_ =	swait.ge @!p0 [sflag:s0], s1  }
0xe6: {  	s1 =	ssub.s32 @!p0 $0x0, s1;
	[sflag:s0] =	ssyncset.done @!p0 $0x0  }
0xe7: {  	[sflag:s0] =	ssyncadd.s32 @!p0 s1  }
0xe8: {  	[bflag:$0x3] =	sbarrier.arrive $0xFFFF  }
0xe9: {  	_ =	shalt  }

</sc_bundles>
